<compile_context>
chip_gen: v7x
topology: tpu7x:2x2x1
jax: 0.10.2.dev20260603
libtpu: 0.0.44.dev20260713+nightly
codegen_flags: <defaults>
</compile_context>

<pallas_src>
import functools

import jax
import jax.numpy as jnp
from jax import lax
from jax.experimental import pallas as pl
from jax.experimental.pallas import tpu as pltpu
from jax.experimental.pallas import tpu_sc as plsc

E = 16
CAP = 320
BS = 1024
NS = 16
TOK = 4096 // NS


def _tc_body(x_ref, w_ref, rp_ref, lg_ref):
    x = x_ref[0]
    w = w_ref[...]
    logits = jax.lax.dot_general(
        x, w, (((1,), (1,)), ((), ())), preferred_element_type=jnp.float32
    )
    lg_ref[0] = logits
    m = jnp.max(logits, axis=-1, keepdims=True)
    denom = jnp.sum(jnp.exp(logits - m), axis=-1, keepdims=True)
    rp_ref[0] = 1.0 / denom


def _sc_body(lg_hbm, ei_hbm, tot_hbm, lg_v, pri_v, oh_v, ei_v, tot_v, all_v):
    c = lax.axis_index("c")
    s = lax.axis_index("s")

    pltpu.sync_copy(lg_hbm.at[c, pl.ds(s * TOK * E, TOK * E)], lg_v)

    lanes = lax.iota(jnp.int32, E)

    def scan_tok(t, counts):
        lg = lg_v[pl.ds(t * E, E)]
        m = jnp.max(lg)
        first = plsc.all_reduce_ffs(lg == m)
        oh = jnp.where(lanes == first, 1, 0)
        cnt = counts + oh
        pri_v[pl.ds(t * E, E)] = cnt
        oh_v[pl.ds(t * E, E)] = oh
        return cnt

    totals = lax.fori_loop(0, TOK, scan_tok, jnp.zeros((E,), jnp.int32))

    tot_v[...] = totals
    pltpu.sync_copy(tot_v, tot_hbm.at[c, pl.ds(s * E, E)])
    plsc.subcore_barrier()
    pltpu.sync_copy(tot_hbm.at[c], all_v)

    def add_prev(i, off):
        return off + jnp.where(i < s, all_v[pl.ds(i * E, E)], 0)

    offset = lax.fori_loop(0, NS, add_prev, jnp.zeros((E,), jnp.int32))

    def mask_tok(t, _):
        pri = pri_v[pl.ds(t * E, E)] + offset
        keep = jnp.where(pri <= CAP, oh_v[pl.ds(t * E, E)], 0)
        ei_v[pl.ds(t * E, E)] = keep
        return 0

    lax.fori_loop(0, TOK, mask_tok, 0)
    pltpu.sync_copy(ei_v, ei_hbm.at[c, pl.ds(s * TOK * E, TOK * E)])


def _sc_route(lg):
    B, S, _ = lg.shape
    lg_flat = lg.reshape(B, S * E)
    mesh = plsc.VectorSubcoreMesh(core_axis_name="c", subcore_axis_name="s")
    fn = functools.partial(
        pl.kernel,
        out_type=(
            jax.ShapeDtypeStruct((B, S * E), jnp.int32),
            jax.ShapeDtypeStruct((B, NS * E), jnp.int32),
        ),
        mesh=mesh,
        scratch_types=[
            pltpu.VMEM((TOK * E,), jnp.float32),
            pltpu.VMEM((TOK * E,), jnp.int32),
            pltpu.VMEM((TOK * E,), jnp.int32),
            pltpu.VMEM((TOK * E,), jnp.int32),
            pltpu.VMEM((E,), jnp.int32),
            pltpu.VMEM((NS * E,), jnp.int32),
        ],
        compiler_params=pltpu.CompilerParams(needs_layout_passes=False),
    )(_sc_body)
    ei, _ = fn(lg_flat)
    return ei.reshape(B, S, E)


def kernel(x, W):
    B, S, D = x.shape
    grid = (B, S // BS)
    out_shapes = (
        jax.ShapeDtypeStruct((B, S, 1), jnp.float32),
        jax.ShapeDtypeStruct((B, S, E), jnp.float32),
    )
    rp, lg = pl.pallas_call(
        _tc_body,
        grid=grid,
        in_specs=[
            pl.BlockSpec((1, BS, D), lambda b, s: (b, s, 0)),
            pl.BlockSpec((E, D), lambda b, s: (0, 0)),
        ],
        out_specs=(
            pl.BlockSpec((1, BS, 1), lambda b, s: (b, s, 0)),
            pl.BlockSpec((1, BS, E), lambda b, s: (b, s, 0)),
        ),
        out_shape=out_shapes,
        compiler_params=pltpu.CompilerParams(
            dimension_semantics=("arbitrary", "arbitrary"),
        ),
    )(x, W)
    ei = _sc_route(lg)
    return (ei, rp, lg)

# --- scband reference (transcript-rebuilt; emitter-appended) ---
"""Pipeline reference for scband-router-7155415515698 (READ-ONLY COPY).

The authoritative reference and input builder live on the scoring server;
editing this copy changes nothing except your own understanding.
"""

import jax, jax.numpy as jnp
import numpy as np

B, S, D, E = 2, 4096, 2048, 16
CAP = 320

def setup_inputs(seed: int = 0) -> dict:
    key = jax.random.key(seed)
    k1, k2 = jax.random.split(key)
    x = jax.random.normal(k1, (B, S, D), dtype=jnp.float32)
    W = jax.random.normal(k2, (E, D), dtype=jnp.float32) * 0.02
    return {"x": x, "W": W}

def reference(x, W):
    # classifier: Linear(embed_dim -> num_experts), no bias; weight shape [E, D]
    xf = x.astype(jnp.float32)
    logits = jnp.einsum('bsd,ed->bse', xf, W)
    probs = jax.nn.softmax(logits.astype(jnp.float32), axis=-1).astype(x.dtype)
    # Switch routing: top-1 expert per token
    expert_idx = jnp.argmax(probs, axis=-1)
    one_hot = jax.nn.one_hot(expert_idx, E, dtype=jnp.int32)
    # token priority: cumulative count of tokens assigned to each expert along seq dim
    token_priority = jnp.cumsum(one_hot, axis=-2)
    expert_capacity_mask = token_priority <= CAP
    expert_indices = one_hot * expert_capacity_mask
    router_probs = jnp.max(probs, axis=-1, keepdims=True)
    return (expert_indices, router_probs, logits)

if __name__ == "__main__":
    import jax
    _d = setup_inputs()
    print(jax.jit(kernel)(*tuple(_d.values())))

</pallas_src>

<mosaic_0001>
#map = affine_map<(d0, d1) -> (0, 0)>
module attributes {stable_mosaic.version = 14 : i64} {
  func.func @_sc_body(%arg0: i32, %arg1: i32, %arg2: memref<2x65536xf32, #tpu.memory_space<hbm>>, %arg3: memref<2x65536xi32, #tpu.memory_space<hbm>>, %arg4: memref<2x256xi32, #tpu.memory_space<hbm>>, %arg5: memref<4096xf32, #tpu.memory_space<vmem>>, %arg6: memref<4096xi32, #tpu.memory_space<vmem>>, %arg7: memref<4096xi32, #tpu.memory_space<vmem>>, %arg8: memref<4096xi32, #tpu.memory_space<vmem>>, %arg9: memref<16xi32, #tpu.memory_space<vmem>>, %arg10: memref<256xi32, #tpu.memory_space<vmem>>) attributes {dimension_semantics = [#tpu.dimension_semantics<core_parallel>, #tpu.dimension_semantics<subcore_parallel>], iteration_bounds = array<i64: 2, 16>, scalar_prefetch = 0 : i64, scratch_operands = 6 : i64, tpu.core_type = #tpu.core_type<sc_vector_subcore>, window_params = [{transform_indices = #map}, {transform_indices = #map}, {transform_indices = #map}]} {
    %mul3A = arith.constant 256 : i32
    %mul3A_0 = arith.muli %arg1, %mul3A : i32
    %mul3A_1 = arith.constant 16 : i32
    %mul3A_2 = arith.muli %mul3A_0, %mul3A_1 : i32
    "tpu.region"() ({
      %run_scoped3A = tpu.sem_alloc : memref<!tpu.dma_semaphore, #tpu.memory_space<semaphore_mem>>
      %dma_start3A = tpu.memref_slice %arg2[%arg0, %mul3A_2] : memref<2x65536xf32, #tpu.memory_space<hbm>> -> memref<1x4096xf32, #tpu.memory_space<hbm>>
      %dma_start3A_31 = tpu.memref_squeeze %dma_start3A : memref<1x4096xf32, #tpu.memory_space<hbm>> -> memref<4096xf32, #tpu.memory_space<hbm>>
      %dma_start3A_32 = tpu.memref_slice %arg2[%arg0, %mul3A_2] : memref<2x65536xf32, #tpu.memory_space<hbm>> -> memref<1x4096xf32, #tpu.memory_space<hbm>>
      %dma_start3A_33 = tpu.memref_squeeze %dma_start3A_32 : memref<1x4096xf32, #tpu.memory_space<hbm>> -> memref<4096xf32, #tpu.memory_space<hbm>>
      tpu.enqueue_dma source(%dma_start3A_33 : memref<4096xf32, #tpu.memory_space<hbm>>) target(%arg5 : memref<4096xf32, #tpu.memory_space<vmem>>) target_semaphore(%run_scoped3A : memref<!tpu.dma_semaphore, #tpu.memory_space<semaphore_mem>>)
      %dma_wait3A = tpu.memref_slice %arg2[%arg0, %mul3A_2] : memref<2x65536xf32, #tpu.memory_space<hbm>> -> memref<1x4096xf32, #tpu.memory_space<hbm>>
      %dma_wait3A_34 = tpu.memref_squeeze %dma_wait3A : memref<1x4096xf32, #tpu.memory_space<hbm>> -> memref<4096xf32, #tpu.memory_space<hbm>>
      %dma_wait3A_35 = tpu.memref_slice %arg2[%arg0, %mul3A_2] : memref<2x65536xf32, #tpu.memory_space<hbm>> -> memref<1x4096xf32, #tpu.memory_space<hbm>>
      %dma_wait3A_36 = tpu.memref_squeeze %dma_wait3A_35 : memref<1x4096xf32, #tpu.memory_space<hbm>> -> memref<4096xf32, #tpu.memory_space<hbm>>
      tpu.wait_dma2 semaphore(%run_scoped3A : memref<!tpu.dma_semaphore, #tpu.memory_space<semaphore_mem>>) src(%dma_wait3A_36 : memref<4096xf32, #tpu.memory_space<hbm>>) dst(%arg5 : memref<4096xf32, #tpu.memory_space<vmem>>)
      tpu.yield
    }) : () -> ()
    %iota3A = tpu.iota {dimensions = array<i32: 0>} : vector<16xi32>
    %broadcast_in_dim3A = arith.constant 0 : i32
    %broadcast_in_dim3A_3 = vector.broadcast %broadcast_in_dim3A : i32 to vector<16xi32>
    %scan3A = arith.constant 0 : i32
    %scan3A_4 = arith.constant 256 : i32
    %scan3A_5 = arith.addi %scan3A, %scan3A_4 : i32
    %scan3A_6 = arith.constant 1 : i32
    %scan3A_7 = scf.for %scan3A_31 = %scan3A to %scan3A_5 step %scan3A_6 iter_args(%scan3A_32 = %broadcast_in_dim3A_3) -> (vector<16xi32>)  : i32 {
      %mul3A_33 = arith.constant 16 : i32
      %mul3A_34 = arith.muli %scan3A_31, %mul3A_33 : i32
      %get3A = arith.index_cast %mul3A_34 : i32 to index
      %get3A_35 = tpu.vector_load %arg5[%get3A] {strides = array<i32>} : memref<4096xf32, #tpu.memory_space<vmem>>, vector<16xf32>,
      %reduce_max3A = arith.constant true
      %reduce_max3A_36 = vector.broadcast %reduce_max3A : i1 to vector<16xi1>
      %reduce_max3A_37 = tpu.scan <max>, %get3A_35 masked %reduce_max3A_36 : vector<16xf32>, vector<16xi1> -> vector<16xf32>
      %reduce_max3A_38 = vector.extract %reduce_max3A_37[15] : f32 from vector<16xf32>
      %eq3A = vector.broadcast %reduce_max3A_38 : f32 to vector<16xf32>
      %eq3A_39 = arith.cmpf oeq, %get3A_35, %eq3A : vector<16xf32>
      %all_reduce_ffs3A = tpu.all_reduce %eq3A_39 {dim = 0 : i64, kind = #tpu.reduction_kind<find_first_set>} : vector<16xi1> -> vector<16xi32>
      %eq3A_40 = arith.cmpi eq, %iota3A, %all_reduce_ffs3A : vector<16xi32>
      %jit3A = arith.constant 1 : i32
      %jit3A_41 = arith.constant 0 : i32
      %broadcast_in_dim3A_42 = vector.broadcast %jit3A : i32 to vector<16xi32>
      %broadcast_in_dim3A_43 = vector.broadcast %jit3A_41 : i32 to vector<16xi32>
      %select_n3A = arith.select %eq3A_40, %broadcast_in_dim3A_42, %broadcast_in_dim3A_43 : vector<16xi1>, vector<16xi32>
      %add3A = arith.addi %scan3A_32, %select_n3A : vector<16xi32>
      %mul3A_44 = arith.constant 16 : i32
      %mul3A_45 = arith.muli %scan3A_31, %mul3A_44 : i32
      %swap3A_46 = arith.index_cast %mul3A_45 : i32 to index
      %swap3A_47 = tpu.vector_load %arg6[%swap3A_46] {strides = array<i32>} : memref<4096xi32, #tpu.memory_space<vmem>>, vector<16xi32>,
      tpu.vector_store %arg6[%swap3A_46], %add3A {strides = array<i32>} : memref<4096xi32, #tpu.memory_space<vmem>>, vector<16xi32>,
      %mul3A_48 = arith.constant 16 : i32
      %mul3A_49 = arith.muli %scan3A_31, %mul3A_48 : i32
      %swap3A_50 = arith.index_cast %mul3A_49 : i32 to index
      %swap3A_51 = tpu.vector_load %arg7[%swap3A_50] {strides = array<i32>} : memref<4096xi32, #tpu.memory_space<vmem>>, vector<16xi32>,
      tpu.vector_store %arg7[%swap3A_50], %select_n3A {strides = array<i32>} : memref<4096xi32, #tpu.memory_space<vmem>>, vector<16xi32>,
      scf.yield %add3A : vector<16xi32>
    }
    %scan3A_8 = arith.constant 256 : i32
    %swap3A = arith.constant 0 : index
    %swap3A_9 = tpu.vector_load %arg9[%swap3A] {strides = array<i32>} : memref<16xi32, #tpu.memory_space<vmem>>, vector<16xi32>,
    tpu.vector_store %arg9[%swap3A], %scan3A_7 {strides = array<i32>} : memref<16xi32, #tpu.memory_space<vmem>>, vector<16xi32>,
    %mul3A_10 = arith.constant 16 : i32
    %mul3A_11 = arith.muli %arg1, %mul3A_10 : i32
    "tpu.region"() ({
      %run_scoped3A = tpu.sem_alloc : memref<!tpu.dma_semaphore, #tpu.memory_space<semaphore_mem>>
      %dma_start3A = tpu.memref_slice %arg4[%arg0, %mul3A_11] : memref<2x256xi32, #tpu.memory_space<hbm>> -> memref<1x16xi32, #tpu.memory_space<hbm>>
      %dma_start3A_31 = tpu.memref_squeeze %dma_start3A : memref<1x16xi32, #tpu.memory_space<hbm>> -> memref<16xi32, #tpu.memory_space<hbm>>
      %dma_start3A_32 = tpu.memref_slice %arg4[%arg0, %mul3A_11] : memref<2x256xi32, #tpu.memory_space<hbm>> -> memref<1x16xi32, #tpu.memory_space<hbm>>
      %dma_start3A_33 = tpu.memref_squeeze %dma_start3A_32 : memref<1x16xi32, #tpu.memory_space<hbm>> -> memref<16xi32, #tpu.memory_space<hbm>>
      tpu.enqueue_dma source(%arg9 : memref<16xi32, #tpu.memory_space<vmem>>) target(%dma_start3A_33 : memref<16xi32, #tpu.memory_space<hbm>>) target_semaphore(%run_scoped3A : memref<!tpu.dma_semaphore, #tpu.memory_space<semaphore_mem>>)
      %dma_wait3A = tpu.memref_slice %arg4[%arg0, %mul3A_11] : memref<2x256xi32, #tpu.memory_space<hbm>> -> memref<1x16xi32, #tpu.memory_space<hbm>>
      %dma_wait3A_34 = tpu.memref_squeeze %dma_wait3A : memref<1x16xi32, #tpu.memory_space<hbm>> -> memref<16xi32, #tpu.memory_space<hbm>>
      %dma_wait3A_35 = tpu.memref_slice %arg4[%arg0, %mul3A_11] : memref<2x256xi32, #tpu.memory_space<hbm>> -> memref<1x16xi32, #tpu.memory_space<hbm>>
      %dma_wait3A_36 = tpu.memref_squeeze %dma_wait3A_35 : memref<1x16xi32, #tpu.memory_space<hbm>> -> memref<16xi32, #tpu.memory_space<hbm>>
      tpu.wait_dma2 semaphore(%run_scoped3A : memref<!tpu.dma_semaphore, #tpu.memory_space<semaphore_mem>>) src(%arg9 : memref<16xi32, #tpu.memory_space<vmem>>) dst(%dma_wait3A_36 : memref<16xi32, #tpu.memory_space<hbm>>)
      tpu.yield
    }) : () -> ()
    %barrier3A = arith.constant 0 : index
    tpu.barrier barrier_id(%barrier3A)
    "tpu.region"() ({
      %run_scoped3A = tpu.sem_alloc : memref<!tpu.dma_semaphore, #tpu.memory_space<semaphore_mem>>
      %dma_start3A = arith.constant 0 : i32
      %dma_start3A_31 = tpu.memref_slice %arg4[%arg0, %dma_start3A] : memref<2x256xi32, #tpu.memory_space<hbm>> -> memref<1x256xi32, #tpu.memory_space<hbm>>
      %dma_start3A_32 = tpu.memref_squeeze %dma_start3A_31 : memref<1x256xi32, #tpu.memory_space<hbm>> -> memref<256xi32, #tpu.memory_space<hbm>>
      %dma_start3A_33 = arith.constant 0 : i32
      %dma_start3A_34 = tpu.memref_slice %arg4[%arg0, %dma_start3A_33] : memref<2x256xi32, #tpu.memory_space<hbm>> -> memref<1x256xi32, #tpu.memory_space<hbm>>
      %dma_start3A_35 = tpu.memref_squeeze %dma_start3A_34 : memref<1x256xi32, #tpu.memory_space<hbm>> -> memref<256xi32, #tpu.memory_space<hbm>>
      tpu.enqueue_dma source(%dma_start3A_35 : memref<256xi32, #tpu.memory_space<hbm>>) target(%arg10 : memref<256xi32, #tpu.memory_space<vmem>>) target_semaphore(%run_scoped3A : memref<!tpu.dma_semaphore, #tpu.memory_space<semaphore_mem>>)
      %dma_wait3A = arith.constant 0 : i32
      %dma_wait3A_36 = tpu.memref_slice %arg4[%arg0, %dma_wait3A] : memref<2x256xi32, #tpu.memory_space<hbm>> -> memref<1x256xi32, #tpu.memory_space<hbm>>
      %dma_wait3A_37 = tpu.memref_squeeze %dma_wait3A_36 : memref<1x256xi32, #tpu.memory_space<hbm>> -> memref<256xi32, #tpu.memory_space<hbm>>
      %dma_wait3A_38 = arith.constant 0 : i32
      %dma_wait3A_39 = tpu.memref_slice %arg4[%arg0, %dma_wait3A_38] : memref<2x256xi32, #tpu.memory_space<hbm>> -> memref<1x256xi32, #tpu.memory_space<hbm>>
      %dma_wait3A_40 = tpu.memref_squeeze %dma_wait3A_39 : memref<1x256xi32, #tpu.memory_space<hbm>> -> memref<256xi32, #tpu.memory_space<hbm>>
      tpu.wait_dma2 semaphore(%run_scoped3A : memref<!tpu.dma_semaphore, #tpu.memory_space<semaphore_mem>>) src(%dma_wait3A_40 : memref<256xi32, #tpu.memory_space<hbm>>) dst(%arg10 : memref<256xi32, #tpu.memory_space<vmem>>)
      tpu.yield
    }) : () -> ()
    %broadcast_in_dim3A_12 = arith.constant 0 : i32
    %broadcast_in_dim3A_13 = vector.broadcast %broadcast_in_dim3A_12 : i32 to vector<16xi32>
    %scan3A_14 = arith.constant 0 : i32
    %scan3A_15 = arith.constant 16 : i32
    %scan3A_16 = arith.addi %scan3A_14, %scan3A_15 : i32
    %scan3A_17 = arith.constant 1 : i32
    %scan3A_18 = scf.for %scan3A_31 = %scan3A_14 to %scan3A_16 step %scan3A_17 iter_args(%scan3A_32 = %broadcast_in_dim3A_13) -> (vector<16xi32>)  : i32 {
      %lt3A = arith.cmpi slt, %scan3A_31, %arg1 : i32
      %mul3A_33 = arith.constant 16 : i32
      %mul3A_34 = arith.muli %scan3A_31, %mul3A_33 : i32
      %get3A = arith.index_cast %mul3A_34 : i32 to index
      %get3A_35 = tpu.vector_load %arg10[%get3A] {strides = array<i32>} : memref<256xi32, #tpu.memory_space<vmem>>, vector<16xi32>,
      %jit3A = arith.constant 0 : i32
      %broadcast_in_dim3A_36 = vector.broadcast %jit3A : i32 to vector<16xi32>
      %select_n3A = arith.select %lt3A, %get3A_35, %broadcast_in_dim3A_36 : vector<16xi32>
      %add3A = arith.addi %scan3A_32, %select_n3A : vector<16xi32>
      scf.yield %add3A : vector<16xi32>
    }
    %scan3A_19 = arith.constant 16 : i32
    %scan3A_20 = arith.constant 0 : i32
    %scan3A_21 = arith.constant 0 : i32
    %scan3A_22 = arith.constant 256 : i32
    %scan3A_23 = arith.addi %scan3A_21, %scan3A_22 : i32
    %scan3A_24 = arith.constant 1 : i32
    %scan3A_25 = scf.for %scan3A_31 = %scan3A_21 to %scan3A_23 step %scan3A_24 iter_args(%scan3A_32 = %scan3A_20) -> (i32)  : i32 {
      %mul3A_33 = arith.constant 16 : i32
      %mul3A_34 = arith.muli %scan3A_31, %mul3A_33 : i32
      %get3A = arith.index_cast %mul3A_34 : i32 to index
      %get3A_35 = tpu.vector_load %arg6[%get3A] {strides = array<i32>} : memref<4096xi32, #tpu.memory_space<vmem>>, vector<16xi32>,
      %add3A = arith.addi %get3A_35, %scan3A_18 : vector<16xi32>
      %le3A = arith.constant 320 : i32
      %le3A_36 = vector.broadcast %le3A : i32 to vector<16xi32>
      %le3A_37 = arith.cmpi sle, %add3A, %le3A_36 : vector<16xi32>
      %mul3A_38 = arith.constant 16 : i32
      %mul3A_39 = arith.muli %scan3A_31, %mul3A_38 : i32
      %get3A_40 = arith.index_cast %mul3A_39 : i32 to index
      %get3A_41 = tpu.vector_load %arg7[%get3A_40] {strides = array<i32>} : memref<4096xi32, #tpu.memory_space<vmem>>, vector<16xi32>,
      %jit3A = arith.constant 0 : i32
      %broadcast_in_dim3A_42 = vector.broadcast %jit3A : i32 to vector<16xi32>
      %select_n3A = arith.select %le3A_37, %get3A_41, %broadcast_in_dim3A_42 : vector<16xi1>, vector<16xi32>
      %mul3A_43 = arith.constant 16 : i32
      %mul3A_44 = arith.muli %scan3A_31, %mul3A_43 : i32
      %swap3A_45 = arith.index_cast %mul3A_44 : i32 to index
      %swap3A_46 = tpu.vector_load %arg8[%swap3A_45] {strides = array<i32>} : memref<4096xi32, #tpu.memory_space<vmem>>, vector<16xi32>,
      tpu.vector_store %arg8[%swap3A_45], %select_n3A {strides = array<i32>} : memref<4096xi32, #tpu.memory_space<vmem>>, vector<16xi32>,
      %scan3A_47 = arith.constant 0 : i32
      scf.yield %scan3A_47 : i32
    }
    %scan3A_26 = arith.constant 256 : i32
    %mul3A_27 = arith.constant 256 : i32
    %mul3A_28 = arith.muli %arg1, %mul3A_27 : i32
    %mul3A_29 = arith.constant 16 : i32
    %mul3A_30 = arith.muli %mul3A_28, %mul3A_29 : i32
    "tpu.region"() ({
      %run_scoped3A = tpu.sem_alloc : memref<!tpu.dma_semaphore, #tpu.memory_space<semaphore_mem>>
      %dma_start3A = tpu.memref_slice %arg3[%arg0, %mul3A_30] : memref<2x65536xi32, #tpu.memory_space<hbm>> -> memref<1x4096xi32, #tpu.memory_space<hbm>>
      %dma_start3A_31 = tpu.memref_squeeze %dma_start3A : memref<1x4096xi32, #tpu.memory_space<hbm>> -> memref<4096xi32, #tpu.memory_space<hbm>>
      %dma_start3A_32 = tpu.memref_slice %arg3[%arg0, %mul3A_30] : memref<2x65536xi32, #tpu.memory_space<hbm>> -> memref<1x4096xi32, #tpu.memory_space<hbm>>
      %dma_start3A_33 = tpu.memref_squeeze %dma_start3A_32 : memref<1x4096xi32, #tpu.memory_space<hbm>> -> memref<4096xi32, #tpu.memory_space<hbm>>
      tpu.enqueue_dma source(%arg8 : memref<4096xi32, #tpu.memory_space<vmem>>) target(%dma_start3A_33 : memref<4096xi32, #tpu.memory_space<hbm>>) target_semaphore(%run_scoped3A : memref<!tpu.dma_semaphore, #tpu.memory_space<semaphore_mem>>)
      %dma_wait3A = tpu.memref_slice %arg3[%arg0, %mul3A_30] : memref<2x65536xi32, #tpu.memory_space<hbm>> -> memref<1x4096xi32, #tpu.memory_space<hbm>>
      %dma_wait3A_34 = tpu.memref_squeeze %dma_wait3A : memref<1x4096xi32, #tpu.memory_space<hbm>> -> memref<4096xi32, #tpu.memory_space<hbm>>
      %dma_wait3A_35 = tpu.memref_slice %arg3[%arg0, %mul3A_30] : memref<2x65536xi32, #tpu.memory_space<hbm>> -> memref<1x4096xi32, #tpu.memory_space<hbm>>
      %dma_wait3A_36 = tpu.memref_squeeze %dma_wait3A_35 : memref<1x4096xi32, #tpu.memory_space<hbm>> -> memref<4096xi32, #tpu.memory_space<hbm>>
      tpu.wait_dma2 semaphore(%run_scoped3A : memref<!tpu.dma_semaphore, #tpu.memory_space<semaphore_mem>>) src(%arg8 : memref<4096xi32, #tpu.memory_space<vmem>>) dst(%dma_wait3A_36 : memref<4096xi32, #tpu.memory_space<hbm>>)
      tpu.yield
    }) : () -> ()
    return
  }
}

module attributes {stable_mosaic.version = 14 : i64} {
  func.func @_tc_body(%arg0: i32, %arg1: i32, %arg2: memref<1x1024x2048xf32, #tpu.memory_space<vmem>>, %arg3: memref<16x2048xf32, #tpu.memory_space<vmem>>, %arg4: memref<1x1024x1xf32, #tpu.memory_space<vmem>>, %arg5: memref<1x1024x16xf32, #tpu.memory_space<vmem>>) attributes {dimension_semantics = [#tpu.dimension_semantics<arbitrary>, #tpu.dimension_semantics<arbitrary>], iteration_bounds = array<i64: 2, 4>, scalar_prefetch = 0 : i64, scratch_operands = 0 : i64, tpu.core_type = #tpu.core_type<tc>, window_params = [{transform_indices = @transform_0, window_bounds = array<i64: 1, 1024, 2048>}, {pipeline_mode = #tpu.pipeline_mode<synchronous>, transform_indices = @transform_1, window_bounds = array<i64: 16, 2048>}, {transform_indices = @transform_2, window_bounds = array<i64: 1, 1024, 1>}, {transform_indices = @transform_3, window_bounds = array<i64: 1, 1024, 16>}]} {
    %get3A = arith.constant 0 : index
    %get3A_0 = arith.constant 0 : index
    %get3A_1 = arith.constant 0 : index
    %get3A_2 = vector.load %arg2[%get3A, %get3A_0, %get3A_1] : memref<1x1024x2048xf32, #tpu.memory_space<vmem>>, vector<1x1024x2048xf32>
    %get3A_3 = vector.shape_cast %get3A_2 : vector<1x1024x2048xf32> to vector<1024x2048xf32>
    %get3A_4 = arith.constant 0 : index
    %get3A_5 = arith.constant 0 : index
    %get3A_6 = vector.load %arg3[%get3A_4, %get3A_5] : memref<16x2048xf32, #tpu.memory_space<vmem>>, vector<16x2048xf32>
    %dot_general3A = arith.constant dense<0.000000e+00> : vector<1024x16xf32>
    %dot_general3A_7 = tpu.matmul %get3A_3, %get3A_6, %dot_general3A {dimension_numbers = #tpu.dot_dimension_numbers<[1], [1], [0], [0], [0, 0, 1, 0], [], []>, transpose_lhs_hint = false} : vector<1024x2048xf32>, vector<16x2048xf32>, vector<1024x16xf32> -> vector<1024x16xf32>
    %swap3A = arith.constant 0 : index
    %swap3A_8 = arith.constant 0 : index
    %swap3A_9 = arith.constant 0 : index
    %swap3A_10 = vector.load %arg5[%swap3A, %swap3A_8, %swap3A_9] : memref<1x1024x16xf32, #tpu.memory_space<vmem>>, vector<1x1024x16xf32>
    %swap3A_11 = vector.shape_cast %swap3A_10 : vector<1x1024x16xf32> to vector<1024x16xf32>
    %swap3A_12 = vector.shape_cast %dot_general3A_7 : vector<1024x16xf32> to vector<1x1024x16xf32>
    tpu.vector_store %arg5[%swap3A, %swap3A_8, %swap3A_9], %swap3A_12 {strides = array<i32>} : memref<1x1024x16xf32, #tpu.memory_space<vmem>>, vector<1x1024x16xf32>,
    %reduce_max3A = arith.constant dense<0xFF800000> : vector<1024xf32>
    %reduce_max3A_13 = vector.multi_reduction <maximumf>, %dot_general3A_7, %reduce_max3A [1] : vector<1024x16xf32> to vector<1024xf32>
    %broadcast_in_dim3A = vector.shape_cast %reduce_max3A_13 : vector<1024xf32> to vector<1024x1xf32>
    %sub3A = vector.broadcast %broadcast_in_dim3A : vector<1024x1xf32> to vector<1024x16xf32>
    %sub3A_14 = arith.subf %dot_general3A_7, %sub3A : vector<1024x16xf32>
    %exp3A = math.exp %sub3A_14 : vector<1024x16xf32>
    %reduce_sum3A = arith.constant dense<0.000000e+00> : vector<1024xf32>
    %reduce_sum3A_15 = vector.multi_reduction <add>, %exp3A, %reduce_sum3A [1] : vector<1024x16xf32> to vector<1024xf32>
    %broadcast_in_dim3A_16 = vector.shape_cast %reduce_sum3A_15 : vector<1024xf32> to vector<1024x1xf32>
    %div3A = arith.constant 1.000000e+00 : f32
    %div3A_17 = vector.broadcast %div3A : f32 to vector<1024x1xf32>
    %div3A_18 = arith.divf %div3A_17, %broadcast_in_dim3A_16 : vector<1024x1xf32>
    %swap3A_19 = arith.constant 0 : index
    %swap3A_20 = arith.constant 0 : index
    %swap3A_21 = arith.constant 0 : index
    %swap3A_22 = vector.load %arg4[%swap3A_19, %swap3A_20, %swap3A_21] : memref<1x1024x1xf32, #tpu.memory_space<vmem>>, vector<1x1024x1xf32>
    %swap3A_23 = vector.shape_cast %swap3A_22 : vector<1x1024x1xf32> to vector<1024x1xf32>
    %swap3A_24 = vector.shape_cast %div3A_18 : vector<1024x1xf32> to vector<1x1024x1xf32>
    tpu.vector_store %arg4[%swap3A_19, %swap3A_20, %swap3A_21], %swap3A_24 {strides = array<i32>} : memref<1x1024x1xf32, #tpu.memory_space<vmem>>, vector<1x1024x1xf32>,
    return
  }
  func.func @transform_0(%arg0: i32, %arg1: i32) -> (i32, i32, i32) {
    %c0_i32 = arith.constant 0 : i32
    %c0_i32_0 = arith.constant 0 : i32
    return %arg0, %arg1, %c0_i32 : i32, i32, i32
  }
  func.func @transform_1(%arg0: i32, %arg1: i32) -> (i32, i32) {
    %c0_i32 = arith.constant 0 : i32
    %c0_i32_0 = arith.constant 0 : i32
    %c0_i32_1 = arith.constant 0 : i32
    return %c0_i32, %c0_i32_0 : i32, i32
  }
  func.func @transform_2(%arg0: i32, %arg1: i32) -> (i32, i32, i32) {
    %c0_i32 = arith.constant 0 : i32
    %c0_i32_0 = arith.constant 0 : i32
    return %arg0, %arg1, %c0_i32 : i32, i32, i32
  }
  func.func @transform_3(%arg0: i32, %arg1: i32) -> (i32, i32, i32) {
    %c0_i32 = arith.constant 0 : i32
    %c0_i32_0 = arith.constant 0 : i32
    return %arg0, %arg1, %c0_i32 : i32, i32, i32
  }
}

</mosaic_0001>

<sc_bundles>
// kernel: kernel.4.cloned.1.call-start
scs
__scs_entry_jumppad:
0x0: {  	(pc) =	sbr.rel $0x88, $3  }
0x1: {  	(tag) =	ssettag $0x0;
	lr =	simm.s32 $0x1  }
0x2: {  	[smem:$0x3F9F] =	sst lr;
	_ =	strace $0xD0000000  }
0x3: {  	_ = 	snop  }
0x4: {  	_ = 	snop  }
0x5: {  	_ = 	snop  }
0x6: {  	_ = 	snop  }
0x7: {  	_ = 	snop  }
__scs_overlays_trampoline_lowered:
0x8: {  	[smem:$0x3FAE] =	sst s0  }
0x9: {  	[smem:$0x3FAF] =	sst s1  }
0xa: {  	[smem:$0x3FB0] =	sst s2  }
0xb: {  	[smem:$0x3FB1] =	sst s3  }
0xc: {  	[smem:$0x3FB2] =	sst s4  }
0xd: {  	[smem:$0x3FB3] =	sst s5  }
0xe: {  	[smem:$0x3FB4] =	sst s6  }
0xf: {  	[smem:$0x3FB5] =	sst s7  }
0x10: {  	[smem:$0x3FB6] =	sst s8  }
0x11: {  	[smem:$0x3FB7] =	sst s9;
	s0 =	simm.s32 @!p0 $0x0  }
0x12: {  	s1 =	sld [smem:$0x3F9D];
	s0 =	simm.s32 @p0 $0x1  }
0x13: {  	[smem:$0x3FB8] =	sst s0;
	s0 =	simm.s32 @!p1 $0x0  }
0x14: {  	s2 =	sld [smem:$0x3F9C];
	s0 =	simm.s32 @p1 $0x1  }
0x15: {  	[smem:$0x3FB9] =	sst s0;
	s0 =	simm.s32 @!p2 $0x0  }
0x16: {  	s3 =	sld [smem:$0x3FDB];
	s0 =	simm.s32 @p2 $0x1  }
0x17: {  	s4 =	simm.s32 $0x1BF5;
	[smem:$0x3FBB] =	sst s0  }
0x18: {  	s0 =	sld [smem:$0x3F9E];
	_ =	swait.ge [sflag:s4], $0x0  }
0x19: {  	s7 =	sld [smem:$0x3F9F]  }
0x1a: {  	s8 =	sadd.s32 $0xFFFFE003, lr  }
0x1b: {  	s9 =	sadd.s32 $0xFFFFFEF7, lr;
	s5 =	simm.s32 $0xFFFFFFFF;
	p2 =	slt.u32 s8, $0xFFFFF086  }
0x1c: {  	p1 =	slt.u32 s9, $0xF7A;
	s5 =	simm.s32 @!p2 $0x0  }
0x1d: {  	s5 =	simm.s32 @p1 $0x1;
	p0 =	seq.s32 s7, s2  }
0x1e: {  	s7 =	smul.u32 @!p0 $0xF7A, s2;
	p2 =	seq.s32 @!p0 s5, $0x0  }
0x1f: {  	s9 =	smul.u32 $0xF7A, s1;
	s8 =	simm.s32 @!p0 $0x1BF5;
	p2 =	por !p2, p0  }
0x20: {  	[sflag:s8] =	ssyncset.s32 @!p0 $0xFFFFF086;
	s6 =	sadd.s32 @!p0 s3, s7;
	s7 =	simm.s32 @!p0 $0x108  }
0x21: {  	s3 =	sadd.s32 s3, s9;
	s6 =	sadd.s32 @!p0 $0x88, s6;
	s7 =	simm.s32 @p2 $0x1082  }
0x22: {  	[simem:s7], [sflag:s8] =	dma.local @!p0 [hbm:s6], $0xF7A  }
0x23: {  	s9 =	sor.u32 $0xD0000000, s2;
	s6 =	simm.s32 $0x108;
	_ =	swait.ge @!p0 [sflag:s8], $0x0  }
0x24: {  	s3 =	sadd.s32 $0x88, s3;
	s6 =	simm.s32 @!p1 $0x1082;
	[sflag:s4] =	ssyncset.s32 $0xFFFFF086  }
0x25: {  	[simem:s6], [sflag:s4] =	dma.local [hbm:s3], $0xF7A  }
0x26: {  	[smem:$0x3F9F] =	sst s1;
	(tag) =	ssettag s2;
	_ =	strace s9  }
0x27: {  	s1 =	sld [smem:$0x3FAF]  }
0x28: {  	s2 =	sld [smem:$0x3FB0]  }
0x29: {  	s4 =	sld [smem:$0x3FB2]  }
0x2a: {  	p0 =	seq.s32 s5, $0x0;
	s5 =	sld [smem:$0x3FB3]  }
0x2b: {  	s6 =	sld [smem:$0x3FB4]  }
0x2c: {  	s7 =	sld [smem:$0x3FB5]  }
0x2d: {  	s3 =	simm.s32 $0x108;
	s8 =	sld [smem:$0x3FB6]  }
0x2e: {  	s3 =	simm.s32 @!p0 $0x1082;
	s9 =	sld [smem:$0x3FB7]  }
0x2f: {  	lr =	sadd.s32 s0, s3;
	s0 =	sld [smem:$0x3FAE]  }
0x30: {  	s3 =	sld [smem:$0x3FB1]  }
0x31: {  	[smem:$0x3FBA] =	sst s10  }
0x32: {  	s10 =	sld [smem:$0x3FB8];
	_ =	sdelay $0x3  }
0x33: {  	p0 =	seq.s32 s10, $0x1;
	s10 =	sld [smem:$0x3FBA];
	_ =	sdelay $0x3  }
0x34: {  	[smem:$0x3FBA] =	sst s10  }
0x35: {  	s10 =	sld [smem:$0x3FB9];
	_ =	sdelay $0x3  }
0x36: {  	p1 =	seq.s32 s10, $0x1;
	s10 =	sld [smem:$0x3FBA];
	_ =	sdelay $0x3  }
0x37: {  	[smem:$0x3FBA] =	sst s10  }
0x38: {  	s10 =	sld [smem:$0x3FBB]  }
0x39: {  	_ = 	snop;
	(pc) =	sbr.ind lr, $3  }
0x3a: {  	_ = 	snop  }
0x3b: {  	_ = 	snop  }
0x3c: {  	p2 =	seq.s32 s10, $0x1;
	s10 =	sld [smem:$0x3FBA]  }
0x3d: {  	_ =	shalt  }
0x3e: {  	_ =	shalt  }
0x3f: {  	_ =	shalt  }
0x40: {  	_ =	shalt  }
0x41: {  	_ =	shalt  }
0x42: {  	_ =	shalt  }
0x43: {  	_ =	shalt  }
0x44: {  	_ =	shalt  }
0x45: {  	_ =	shalt  }
0x46: {  	_ =	shalt  }
0x47: {  	_ =	shalt  }
0x48: {  	_ =	shalt  }
0x49: {  	_ =	shalt  }
0x4a: {  	_ =	shalt  }
0x4b: {  	_ =	shalt  }
0x4c: {  	_ =	shalt  }
0x4d: {  	_ =	shalt  }
0x4e: {  	_ =	shalt  }
0x4f: {  	_ =	shalt  }
0x50: {  	_ =	shalt  }
0x51: {  	_ =	shalt  }
0x52: {  	_ =	shalt  }
0x53: {  	_ =	shalt  }
0x54: {  	_ =	shalt  }
0x55: {  	_ =	shalt  }
0x56: {  	_ =	shalt  }
0x57: {  	_ =	shalt  }
0x58: {  	_ =	shalt  }
0x59: {  	_ =	shalt  }
0x5a: {  	_ =	shalt  }
0x5b: {  	_ =	shalt  }
0x5c: {  	_ =	shalt  }
0x5d: {  	_ =	shalt  }
0x5e: {  	_ =	shalt  }
0x5f: {  	_ =	shalt  }
0x60: {  	_ =	shalt  }
0x61: {  	_ =	shalt  }
0x62: {  	_ =	shalt  }
0x63: {  	_ =	shalt  }
0x64: {  	_ =	shalt  }
0x65: {  	_ =	shalt  }
0x66: {  	_ =	shalt  }
0x67: {  	_ =	shalt  }
0x68: {  	_ =	shalt  }
0x69: {  	_ =	shalt  }
0x6a: {  	_ =	shalt  }
0x6b: {  	_ =	shalt  }
0x6c: {  	_ =	shalt  }
0x6d: {  	_ =	shalt  }
0x6e: {  	_ =	shalt  }
0x6f: {  	_ =	shalt  }
0x70: {  	_ =	shalt  }
0x71: {  	_ =	shalt  }
0x72: {  	_ =	shalt  }
0x73: {  	_ =	shalt  }
0x74: {  	_ =	shalt  }
0x75: {  	_ =	shalt  }
0x76: {  	_ =	shalt  }
0x77: {  	_ =	shalt  }
0x78: {  	_ =	shalt  }
0x79: {  	_ =	shalt  }
0x7a: {  	_ =	shalt  }
0x7b: {  	_ =	shalt  }
0x7c: {  	_ =	shalt  }
0x7d: {  	_ =	shalt  }
0x7e: {  	_ =	shalt  }
0x7f: {  	_ =	shalt  }
0x80: {  	_ =	shalt  }
0x81: {  	_ =	shalt  }
0x82: {  	_ =	shalt  }
0x83: {  	_ =	shalt  }
0x84: {  	_ =	shalt  }
0x85: {  	_ =	shalt  }
0x86: {  	_ =	shalt  }
0x87: {  	_ =	shalt  }
.Lfunc_end0:
.L_simem_size_0:
called_computation_lowered:
.L_overlay_start_0:
0x88: {  	s2 =	sld [smem:$0x3FD9]  }
0x89: {  	s3 =	sld [smem:$0x3FFE];
	_ =	sdelay $0x1  }
0x8a: {  	s1 =	srdreg.scid  }
0x8b: {  	s0 =	sand.u32 $0x1, s1  }
0x8c: {  	s14 =	sshll.u32 s0, $0xA;
	s2 =	sadd.s32 s3, s2  }
0x8d: {  	s2 =	sadd.s32 s2, s14  }
0x8e: {  	[smem:$0x3FC6] =	sst s2  }
0x8f: {  	_ = 	snop  }
0x90: {  	s2 =	sld [smem:$0x3FD0];
	_ =	sdelay $0x2  }
0x91: {  	s15 =	simm.s32 $0xA;
	s4 =	simm.s32 $0x10  }
0x92: {  	[smem:s4], [sflag:s15] =	dma.local [hbm:s2], $0x1  }
0x93: {  	_ =	swait.eq [sflag:s15], $0x1  }
0x94: {  	[sflag:s15] =	ssyncset.done $0x0  }
0x95: {  	[sflag:s15] =	ssyncadd.s32 $0xFFFFFFFF  }
0x96: {  	s16 =	sld [smem:$0x10];
	(tm) =	ssettm $0x1  }
0x97: {  	s17 =	sld [smem:$0x3FFB];
	_ =	sdelay $0x3  }
0x98: {  	_ =	strace s17  }
0x99: {  	s3 =	sld [smem:$0x3FFC];
	_ =	sdelay $0x3  }
0x9a: {  	_ =	strace s3  }
0x9b: {  	s3 =	sld [smem:$0x3FFD];
	_ =	sdelay $0x3  }
0x9c: {  	_ =	strace s3  }
0x9d: {  	_ =	strace $0x8FFFFFFF  }
0x9e: {  	s18 =	sld [smem:$0x3FDB];
	_ =	sdelay $0x1  }
0x9f: {  	s19 =	simm.s32 $_scs_section_size  }
0xa0: {  	s5 =	simm.s32 $_size__tile_overlayer_lowered;
	s6 =	simm.s32 $_tile_overlayer_lowered  }
0xa1: {  	s22 =	simm.s32 $0x1BFF;
	s21 =	sshll.u32 s6, $0x1;
	s3 =	sadd.s32 s19, s18  }
0xa2: {  	s7 =	simm.s32 $0x0;
	s20 =	sshll.u32 s5, $0x1;
	s5 =	sadd.s32 s21, s3  }
0xa3: {  	[timem:s7], [sflag:s22] =	dma.local [hbm:s5], s20  }
0xa4: {  	_ =	swait.ge [sflag:s22], s20  }
0xa5: {  	s4 =	ssub.s32 $0x0, s20;
	[sflag:s22] =	ssyncset.done $0x0  }
0xa6: {  	[sflag:s22] =	ssyncadd.s32 s4;
	_ =	sdelay $0x1  }
0xa7: {  	s23 =	simm.s32 $0x1B8B  }
0xa8: {  	_ =	swait.ge [sflag:s23], $0x1  }
0xa9: {  	[sflag:s23] =	ssyncset.done $0x0  }
0xaa: {  	s25 =	simm.s32 $0x1B8E;
	s24 =	sld [smem:$0x3FFE];
	[sflag:s23] =	ssyncadd.s32 $0xFFFFFFFF  }
0xab: {  	s26 =	simm.s32 $execute0_lowered;
	[smem:$0x3FD2] =	sst s25  }
0xac: {  	s5 =	sshll.u32 s26, $0x1;
	_ =	strace $0x80000046;
	[dreg:$0x1] =	wrdreg $0xFFFFFFFF  }
0xad: {  	s28 =	simm.s32 $_size_execute0_lowered;
	s3 =	sadd.s32 s3, s5;
	[dreg:$0x0] =	wrdreg $0x0  }
0xae: {  	s5 =	sshll.u32 s28, $0x1;
	[dreg:$0x2] =	wrdreg s3  }
0xaf: {  	[dreg:$0x3] =	wrdreg s5  }
0xb0: {  	[dreg:$0x4] =	wrdreg $0xC0  }
0xb1: {  	_ =	task [dreg:s7], $0x5FFFF  }
0xb2: {  	[dreg:$0x1] =	wrdreg $0xFFFFFFFF  }
0xb3: {  	[dreg:$0x0] =	wrdreg $0x60  }
0xb4: {  	[dreg:$0x2] =	wrdreg s16  }
0xb5: {  	[dreg:$0x3] =	wrdreg s24  }
0xb6: {  	[dreg:$0x4] =	wrdreg $0x9  }
0xb7: {  	_ =	task.clear_ibuf [dreg:s7], $0x5FFFF;
	_ =	strace $0x90000046  }
0xb8: {  	s29 =	simm.s32 $0x9;
	_ =	strace $0x80000048  }
0xb9: {  	_ =	swait.ge [sflag:s29], $0x1  }
0xba: {  	[sflag:s29] =	ssyncadd.s32 $0xFFFFFFFF  }
0xbb: {  	_ =	strace $0x90000048  }
0xbc: {  	_ =	sfence  }
0xbd: {  	s30 =	sld [smem:$0x0];
	_ =	sdelay $0x2  }
0xbe: {  	s31 =	sshll.u32 s1, $0xD;
	s1 =	sshrl.u32 s1, $0x2  }
0xbf: {  	s3 =	sand.u32 $0x4000, s31;
	s1 =	sadd.s32 s1, s30  }
0xc0: {  	s0 =	sor.u32 s3, s0;
	s1 =	sshll.u32 s1, $0x11  }
0xc1: {  	s0 =	sor.u32 s1, s0  }
0xc2: {  	s0 =	sadd.s32 $0x8F2B, s0  }
0xc3: {  	[sflag:s0] =	ssyncadd.remote.s32 $0x1  }
0xc4: {  	_ =	sfence.sel $0xFFFF  }
0xc5: {  	[dreg:$0x0] =	wrdreg $0xFFFFFFFF;
	(pc) =	sbr.abs _section_cstart, $3  }
0xc6: {  	[dreg:$0x1] =	wrdreg $0xFFFFFFFF  }
0xc7: {  	_ =	task.clear_ibuf [dreg:s7], $0x2FFFF;
	_ =	strace $0x9FFFFFFF  }
0xc8: {  	(tm) =	ssettm $0x7FFFFFFF  }
0xc9: {  	_ =	shalt  }
tec
execute0_lowered:
.L_overlay_start_1:
0x0: {  	(tag) =	ssettag $0x1  }
0x1: {  	s3 =	rddreg [dreg:$0x0]  }
0x2: {  	s4 =	rddreg [dreg:$0x1]  }
0x3: {  	s0 =	rddreg [dreg:$0x2];
	s2 =	simm.s32 $0x0;
	s5 =	srdreg.scid  }
0x4: {  	s1 =	stileid.u32;
	s12 =	simm.s32 $0x4080;
	s13 =	simm.s32 $0x3000  }
0x5: {  	s14 =	simm.s32 $0x0;
	[smem:$0x7FF] =	sst s2;
	s5 =	sand.u32 $0x1, s5  }
0x6: {  	s7 =	sshll.u32 s1, $0xD;
	s8 =	sshll.u32 s1, $0x5;
	s9 =	sshll.u32 s1, $0x4  }
0x7: {  	s28 =	sadd.s32 $0xC00, s4;
	p0 =	seq.s32 s1, $0xF;
	p2 =	sgt.u32 s1, $0x5  }
0x8: {  	p3 =	sgt.u32 s1, $0x4;
	p4 =	sgt.u32 s1, $0x3;
	s11 =	ssub.s32 $0x2, s5  }
0x9: {  	p5 =	sgt.u32 s1, $0x2;
	p6 =	sgt.u32 s1, $0x1;
	s29 =	sshrl.u32 s11, $0x1  }
0xa: {  	_ =	strace $0x80000047;
	s30 =	ssub.s32 s11, s29;
	s11 =	simm.s32 @!p0 $0x0  }
0xb: {  	s6 =	sshll.u32 s5, $0x7;
	s11 =	simm.s32 @p0 $0x1;
	p0 =	sgt.u32 s1, $0xD  }
0xc: {  	s8 =	sand.u32 $0x100, s8;
	[smem:$0x7F5] =	sst s11;
	s11 =	simm.s32 @!p0 $0x0  }
0xd: {  	s9 =	sand.u32 $0x70, s9;
	s11 =	simm.s32 @p0 $0x1;
	p0 =	sgt.u32 s1, $0xC  }
0xe: {  	s5 =	sshll.u32 s5, $0x4;
	[smem:$0x7F6] =	sst s11;
	s11 =	simm.s32 @!p0 $0x0  }
0xf: {  	s7 =	sor.u32 s6, s7;
	s11 =	simm.s32 @p0 $0x1;
	p0 =	sgt.u32 s1, $0xB  }
0x10: {  	s8 =	sor.u32 s8, s9;
	[smem:$0x7F7] =	sst s11;
	s11 =	simm.s32 @!p0 $0x0  }
0x11: {  	s5 =	sadd.s32 s28, s5;
	s11 =	simm.s32 @p0 $0x1;
	p0 =	sgt.u32 s1, $0xA  }
0x12: {  	s9 =	simm.s32 $0x100;
	[smem:$0x7F8] =	sst s11;
	s11 =	simm.s32 @!p0 $0x0  }
0x13: {  	s7 =	sshrl.u32 s7, $0x3;
	s11 =	simm.s32 @p0 $0x1;
	p0 =	sgt.u32 s1, $0x9  }
0x14: {  	s6 =	sor.u32 s6, s8;
	[smem:$0x7F9] =	sst s11;
	s11 =	simm.s32 @!p0 $0x0  }
0x15: {  	s8 =	simm.s32 $0x80;
	s11 =	simm.s32 @p0 $0x1;
	p0 =	sgt.u32 s1, $0x8  }
0x16: {  	s10 =	sadd.s32 s7, s4;
	[smem:$0x7FA] =	sst s11;
	s11 =	simm.s32 @!p0 $0x0  }
0x17: {  	s31 =	sshrl.u32 s6, $0x3;
	s11 =	simm.s32 @p0 $0x1;
	p0 =	sgt.u32 s1, $0x7  }
0x18: {  	s3 =	sadd.s32 s3, s7;
	s7 =	smax.u32 s30, $0x1;
	s15 =	simm.s32 @!p0 $0x0  }
0x19: {  	s4 =	sadd.s32 s28, s31;
	s15 =	simm.s32 @p0 $0x1;
	p0 =	sgt.u32 s1, $0x6  }
0x1a: {  	s6 =	sadd.s32 $0xE00, s10;
	[smem:$0x7FC] =	sst s15;
	s15 =	simm.s32 @!p0 $0x0  }
0x1b: {  	s10 =	simm.s32 $0x1;
	[smem:$0x7FB] =	sst s11;
	s15 =	simm.s32 @p0 $0x1  }
0x1c: {  	v0 =	vlaneseq.u32;
	v1 =	vimm.s32 $0x0;
	s11 =	simm.s32 $0x4000;
	p0 =	seq.s32 s1, $0x0;
	[smem:$0x7FD] =	sst s15  }
.LBB2_1:
0x1d: {  	[tilespmem:s2], [sflag:$0x1] =	stream.strided.gather [hbm4b:s3+s8], $0x1000, s9, s8, $0x38;
	[tilespmem:$0x4180] =	vst v63  }
0x1e: {  	_ =	swait.ge [sflag:s10], $0x1000  }
0x1f: {  	[sflag:s10] =	ssyncset.done $0x0  }
0x20: {  	s17 =	simm.s32 $0x0;
	[sflag:s10] =	ssyncadd.s32 $0xFFFFF000  }
0x21: {  	v3 =	vld [tilespmem:s17+$0x0];
	_ =	sdelay $0x4  }
0x22: {  	(xrf0) =	vmax.scan.msk.f32 $0xffff, v3;
	_ =	sdelay $0x1  }
0x23: {  	s15 =	simm.s32 $0x10  }
0x24: {  	v2 =	vld [tilespmem:s15+$0x0];
	_ =	sdelay $0x2  }
0x25: {  	v4, _, _ =	vpop (xrf0)  }
0x26: {  	v4 =	vbroadcast v4, $0xF  }
0x27: {  	s16 =	simm.s32 $0x20;
	(xrf0) =	vmax.scan.msk.f32 $0xffff, v2  }
0x28: {  	vm0 =	veq.f32 v3, v4;
	v4 =	vld [tilespmem:s16+$0x0];
	_ =	sdelay $0x2  }
0x29: {  	s18 =	simm.s32 $0xC0;
	v3 =	vimm.s32 $0x0;
	v5 =	vmctz.xlane vm0  }
.LBB2_2:
0x2a: {  	p1 =	sne.s32 s18, $0x3FC0  }
.Ltmp0:
0x2b: {  	s19 =	sshra.s32 s18, $0x2;
	s18 =	sadd.s32 $0x40, s18;
	(xrf0) =	vmax.scan.msk.f32 $0xffff, v4;
	v6, _, _ =	vpop (xrf0);
	vm0 =	veq.s32 v5, v0;
	v5 =	vmov v4;
	(pc) =	sbr.rel @p1 .LBB2_2-.Ltmp0, $4  }
0x2c: {  	v4 =	vld [tilespmem:s19+$0x0];
	v6 =	vbroadcast v6, $0xF;
	v7 =	vsel vm0, $0x1, v1  }
0x2d: {  	v3 =	vadd.s32 v7, v3;
	[tilespmem:s17+$0x2000] =	vst v7  }
0x2e: {  	vm0 =	veq.f32 v2, v6;
	[tilespmem:s17+$0x1000] =	vst v3;
	v2 =	vmov v5;
	s17 =	smov.u32 s15;
	s15 =	smov.u32 s16;
	s16 =	smov.u32 s19  }
0x2f: {  	v5 =	vmctz.xlane vm0  }
0x30: {  	_ = 	snop  }
0x31: {  	(xrf0) =	vmax.scan.msk.f32 $0xffff, v4;
	_ =	sdelay $0x3  }
0x32: {  	v6, _, _ =	vpop (xrf0)  }
0x33: {  	v6 =	vbroadcast v6, $0xF  }
0x34: {  	v7, _, _ =	vpop (xrf0)  }
0x35: {  	vm0 =	veq.f32 v2, v6;
	v2 =	vbroadcast v7, $0xF  }
0x36: {  	vm12 =	veq.s32 v5, v0;
	v6 =	vmctz.xlane vm0  }
0x37: {  	v5 =	vsel vm12, $0x1, v1;
	vm13 =	veq.f32 v4, v2  }
0x38: {  	[tilespmem:s17+$0x2000] =	vst v5;
	vm14 =	veq.s32 v6, v0;
	v2 =	vadd.s32 v5, v3;
	v3 =	vmctz.xlane vm13  }
0x39: {  	v4 =	vsel vm14, $0x1, v1;
	[tilespmem:s17+$0x1000] =	vst v2  }
0x3a: {  	v2 =	vadd.s32 v4, v2;
	[tilespmem:s15+$0x2000] =	vst v4;
	vm15 =	veq.s32 v3, v0  }
0x3b: {  	[tilespmem:s15+$0x1000] =	vst v2;
	v3 =	vsel vm15, $0x1, v1  }
0x3c: {  	v2 =	vadd.s32 v3, v2;
	[tilespmem:s16+$0x2000] =	vst v3  }
0x3d: {  	[tilespmem:s16+$0x1000] =	vst v2  }
0x3e: {  	s21 =	simm.s32 $0x0;
	[tilespmem:$0x4000] =	vst v2  }
0x3f: {  	[hbm4b:s4+s21] =	stream.linear.scatter [tilespmem:s11], [sflag:$0x1], $0x10, $0x38;
	[tilespmem:$0x4180] =	vst v63  }
0x40: {  	_ =	swait.ge [sflag:s10], $0x10  }
0x41: {  	[sflag:s10] =	ssyncset.done $0x0  }
0x42: {  	[sflag:s10] =	ssyncadd.s32 $0xFFFFFFF0  }
0x43: {  	[bflag:$0x0] =	sbarrier.arrive $0xFFFF  }
0x44: {  	[tilespmem:s12], [sflag:$0x1] =	stream.strided.gather [hbm4b:s5+s8], $0x100, s9, s8, $0x38;
	[tilespmem:$0x4180] =	vst v63  }
0x45: {  	_ =	swait.ge [sflag:s10], $0x100  }
0x46: {  	[sflag:s10] =	ssyncset.done $0x0  }
0x47: {  	[sflag:s10] =	ssyncadd.s32 $0xFFFFFF00  }
0x48: {  	v2 =	vld [tilespmem:$0x4080]  }
0x49: {  	v3 =	vld [tilespmem:$0x4090]  }
0x4a: {  	v4 =	vld [tilespmem:$0x40A0]  }
0x4b: {  	v5 =	vld [tilespmem:$0x40B0]  }
0x4c: {  	v6 =	vld [tilespmem:$0x40C0]  }
0x4d: {  	v7 =	vld [tilespmem:$0x40D0]  }
0x4e: {  	v8 =	vld [tilespmem:$0x40E0];
	v2 =	vpsel p0, $0x0, v2;
	v3 =	vpsel !p6, $0x0, v3  }
0x4f: {  	s22 =	sld [smem:$0x7FD];
	v2 =	vadd.s32 v2, v3;
	v3 =	vpsel !p5, $0x0, v4;
	v4 =	vld [tilespmem:$0x40F0]  }
0x50: {  	s23 =	sld [smem:$0x7FC];
	v2 =	vadd.s32 v2, v3;
	v3 =	vpsel !p4, $0x0, v5;
	v5 =	vld [tilespmem:$0x4100]  }
0x51: {  	s24 =	sld [smem:$0x7FB];
	v2 =	vadd.s32 v2, v3;
	v3 =	vpsel !p3, $0x0, v6;
	v6 =	vld [tilespmem:$0x4110]  }
0x52: {  	s25 =	sld [smem:$0x7FA];
	p1 =	seq.s32 s22, $0x1;
	v2 =	vadd.s32 v2, v3;
	v3 =	vpsel !p2, $0x0, v7;
	v7 =	vld [tilespmem:$0x4120]  }
0x53: {  	s26 =	sld [smem:$0x7F9];
	v63 =	vld [tilespmem:$0x4130];
	v2 =	vadd.s32 v2, v3;
	v3 =	vpsel !p1, $0x0, v8;
	p1 =	seq.s32 s23, $0x1  }
0x54: {  	s28 =	sld [smem:$0x7F8];
	v2 =	vadd.s32 v2, v3;
	v3 =	vpsel !p1, $0x0, v4;
	v4 =	vld [tilespmem:$0x4140];
	p1 =	seq.s32 s24, $0x1  }
0x55: {  	s29 =	sld [smem:$0x7F7];
	v2 =	vadd.s32 v2, v3;
	v3 =	vpsel !p1, $0x0, v5;
	v5 =	vld [tilespmem:$0x4150];
	p1 =	seq.s32 s25, $0x1  }
0x56: {  	s30 =	sld [smem:$0x7F6];
	v2 =	vadd.s32 v2, v3;
	v3 =	vpsel !p1, $0x0, v6;
	v6 =	vld [tilespmem:$0x4160];
	p1 =	seq.s32 s26, $0x1  }
0x57: {  	s31 =	sld [smem:$0x7F5];
	v2 =	vadd.s32 v2, v3;
	v3 =	vpsel !p1, $0x0, v7;
	p1 =	seq.s32 s28, $0x1  }
0x58: {  	v2 =	vadd.s32 v2, v3;
	v3 =	vpsel !p1, $0x0, v63;
	p1 =	seq.s32 s29, $0x1  }
0x59: {  	v2 =	vadd.s32 v2, v3;
	v3 =	vpsel !p1, $0x0, v4;
	p1 =	seq.s32 s30, $0x1  }
0x5a: {  	s15 =	simm.s32 $0x0;
	v2 =	vadd.s32 v2, v3;
	v3 =	vpsel !p1, $0x0, v5;
	p1 =	seq.s32 s31, $0x1  }
0x5b: {  	v2 =	vadd.s32 v2, v3;
	v4 =	vpsel !p1, $0x0, v6;
	v3 =	vld [tilespmem:s15+$0x1000]  }
0x5c: {  	s16 =	simm.s32 $0x40;
	v2 =	vadd.s32 v2, v4;
	v4 =	vld [tilespmem:s15+$0x2000]  }
.LBB2_4:
0x5d: {  	_ = 	snop  }
0x5e: {  	p1 =	sne.s32 s16, $0x3FC0  }
.Ltmp1:
0x5f: {  	_ = 	snop;
	(pc) =	sbr.rel @p1 .LBB2_4-.Ltmp1, $4  }
0x60: {  	v5 =	vadd.s32 v2, v3  }
0x61: {  	s17 =	sshra.s32 s16, $0x2;
	vm0 =	vlt.s32 v5, $0x141  }
0x62: {  	v3 =	vld [tilespmem:s17+$0x1000];
	v5 =	vnsel vm0, $0x0, v4  }
0x63: {  	s16 =	sadd.s32 $0x40, s16;
	v4 =	vld [tilespmem:s17+$0x2000];
	[tilespmem:s15+$0x3000] =	vst v5;
	s15 =	smov.u32 s17  }
0x64: {  	_ =	sdelay $0x2  }
0x65: {  	v2 =	vadd.s32 v2, v3  }
0x66: {  	s14 =	sadd.s32 $0x1, s14;
	vm0 =	vlt.s32 v2, $0x141  }
0x67: {  	p1 =	sne.s32 s14, s7;
	v2 =	vnsel vm0, $0x0, v4  }
.Ltmp2:
0x68: {  	[tilespmem:s15+$0x3000] =	vst v2;
	(pc) =	sbr.rel @p1 .LBB2_1-.Ltmp2, $4  }
0x69: {  	[hbm4b:s6+s8] =	stream.strided.scatter [tilespmem:s13], [sflag:$0x1], $0x1000, s9, s8, $0x38;
	[tilespmem:$0x4180] =	vst v63  }
0x6a: {  	_ =	swait.ge [sflag:s10], $0x1000  }
0x6b: {  	[sflag:s10] =	ssyncset.done $0x0  }
0x6c: {  	[sflag:s10] =	ssyncadd.s32 $0xFFFFF000  }
0x6d: {  	_ =	sfence.sel $0x180000  }
0x6e: {  	[bflag:$0x0] =	sbarrier.arrive $0xFFFF  }
0x6f: {  	p0 =	sne.s32 s1, $0x0;
	_ =	strace $0x90000047  }
0x70: {  	s0 =	sadd.s32 @!p0 $0x100000, s0;
	[bflag:$0x2] =	sbarrier.arrive $0xFFFF  }
0x71: {  	[sflag:s0] =	ssyncadd.tile.s32 @!p0 $0x1;
	_ =	shalt  }
.Lfunc_end2:
_tile_overlayer_lowered:
.L_overlay_start_2:
0x72: {  	(tag) =	ssettag $0x2  }
0x73: {  	s0 =	rddreg [dreg:$0x0];
	s2 =	stileid.u32  }
0x74: {  	s1 =	rddreg [dreg:$0x1];
	p0 =	sne.s32 s2, $0x0  }
0x75: {  	s3 =	rddreg [dreg:$0x2];
	[bflag:$0x3] =	sbarrier.arrive $0xFFFF;
	s2 =	simm.s32 @!p0 $0x1C01  }
0x76: {  	[timem:s3], [sflag:s2] =	dma.local @!p0 [hbm:s0], s1  }
0x77: {  	s0 =	simm.s32 @!p0 $0x1  }
0x78: {  	_ =	swait.ge @!p0 [sflag:s0], s1  }
0x79: {  	s1 =	ssub.s32 @!p0 $0x0, s1;
	[sflag:s0] =	ssyncset.done @!p0 $0x0  }
0x7a: {  	[sflag:s0] =	ssyncadd.s32 @!p0 s1  }
0x7b: {  	[bflag:$0x3] =	sbarrier.arrive $0xFFFF  }
0x7c: {  	_ =	shalt  }

</sc_bundles>
